<compile_context>
chip_gen: v7x
topology: tpu7x:2x2x1
jax: 0.10.2.dev20260603
libtpu: 0.0.44.dev20260713+nightly
codegen_flags: <defaults>
</compile_context>

<pallas_src>
import functools

import jax
import jax.numpy as jnp
from jax import lax
from jax.experimental import pallas as pl
from jax.experimental.pallas import tpu as pltpu
from jax.experimental.pallas import tpu_sc as plsc

_NC = 2
_NS = 16
_NW = _NC * _NS
_CH = 128


def _widen_rows_tc(emb, rows_per_block):
    n, d = emb.shape

    def body(x_ref, o_ref):
        o_ref[...] = jnp.pad(x_ref[...], ((0, 0), (0, 128 - d)))

    return pl.pallas_call(
        body,
        grid=(n // rows_per_block,),
        in_specs=[pl.BlockSpec((rows_per_block, d), lambda i: (i, 0))],
        out_specs=pl.BlockSpec((rows_per_block, 128), lambda i: (i, 0)),
        out_shape=jax.ShapeDtypeStruct((n, 128), emb.dtype),
    )(emb)


@functools.partial(jax.jit, static_argnums=(2, 3))
def _sc_gather(emb128, idx1, n_total, n_ch):
    mesh = plsc.VectorSubcoreMesh(
        core_axis_name="c", subcore_axis_name="s",
        num_cores=_NC, num_subcores=_NS)

    @functools.partial(
        pl.kernel,
        out_type=jax.ShapeDtypeStruct((n_total, 128), jnp.float32),
        mesh=mesh,
        scratch_types=[
            pltpu.VMEM((n_ch * _CH,), jnp.int32),
            pltpu.VMEM((_CH, 128), jnp.float32),
            pltpu.VMEM((_CH, 128), jnp.float32),
            pltpu.SemaphoreType.DMA,
            pltpu.SemaphoreType.DMA,
        ],
        compiler_params=pltpu.CompilerParams(use_tc_tiling_on_sc=True),
    )
    def k(emb_hbm, idx_hbm, out_hbm, idx_v, buf0, buf1, sem0, sem1):
        wid = lax.axis_index("s") * _NC + lax.axis_index("c")
        base = wid * (n_ch * _CH)
        pltpu.sync_copy(idx_hbm.at[pl.ds(base, n_ch * _CH)], idx_v)

        def issue(j, buf, sem):
            pltpu.async_copy(
                emb_hbm.at[idx_v.at[pl.ds(j * _CH, _CH)]], buf, sem)

        def drain(buf, sem):
            pltpu.make_async_copy(emb_hbm.at[pl.ds(0, _CH)], buf, sem).wait()

        def writeback(j, buf):
            pltpu.sync_copy(buf, out_hbm.at[pl.ds(base + j * _CH, _CH)])

        issue(0, buf0, sem0)
        issue(1, buf1, sem1)

        def body(i, carry):
            j = 2 * i
            drain(buf0, sem0)
            writeback(j, buf0)
            issue(j + 2, buf0, sem0)
            drain(buf1, sem1)
            writeback(j + 1, buf1)
            issue(j + 3, buf1, sem1)
            return carry

        lax.fori_loop(0, n_ch // 2 - 1, body, 0)
        j_last = n_ch - 2
        drain(buf0, sem0)
        writeback(j_last, buf0)
        drain(buf1, sem1)
        writeback(j_last + 1, buf1)

    return k(emb128, idx1)


def kernel(x, embeddings):
    b, t = x.shape
    n_states, d = embeddings.shape
    n_total = b * t
    n_ch = n_total // (_NW * _CH)
    idx1 = x.reshape(n_total).astype(jnp.int32)
    emb128 = embeddings.reshape(n_states // 2, 2 * d)
    out128 = _sc_gather(emb128, idx1 >> 1, n_total, n_ch)
    odd = (idx1 & 1).astype(bool)[:, None]
    out = jnp.where(odd, out128[:, d:], out128[:, :d])
    return out.reshape(b, t, d)

# --- scband reference (transcript-rebuilt; emitter-appended) ---
"""Pipeline reference for scband-discrete-embedder-81217831567423 (READ-ONLY COPY).

The authoritative reference and input builder live on the scoring server;
editing this copy changes nothing except your own understanding.
"""

import jax, jax.numpy as jnp
import numpy as np

N_STATES = 1000000
N_DIM = 64
B = 4096
T = 50

def setup_inputs(seed: int = 0) -> dict:
    key = jax.random.key(seed)
    k_idx, k_emb = jax.random.split(key)
    x = jax.random.randint(k_idx, (B, T), 0, N_STATES, dtype=jnp.int64 if jax.config.jax_enable_x64 else jnp.int32)
    embeddings = jax.random.normal(k_emb, (N_STATES, N_DIM), dtype=jnp.float32) * 0.02
    return {"x": x, "embeddings": embeddings}

def reference(x, embeddings):
    # x: int[B, T] indices in [0, n_states); returns float32[B, T, n_dim]
    return jnp.take(embeddings, x, axis=0)

if __name__ == "__main__":
    import jax
    _d = setup_inputs()
    print(jax.jit(kernel)(*tuple(_d.values())))

</pallas_src>

<mosaic_0001>
#map = affine_map<(d0, d1) -> (0, 0)>
#map1 = affine_map<(d0, d1) -> (0)>
module attributes {stable_mosaic.version = 14 : i64} {
  func.func @k(%arg0: i32, %arg1: i32, %arg2: memref<500000x128xf32, #tpu.memory_space<hbm>>, %arg3: memref<204800xi32, #tpu.memory_space<hbm>>, %arg4: memref<204800x128xf32, #tpu.memory_space<hbm>>, %arg5: memref<6400xi32, #tpu.memory_space<vmem>>, %arg6: memref<128x128xf32, #tpu.memory_space<vmem>>, %arg7: memref<128x128xf32, #tpu.memory_space<vmem>>, %arg8: memref<!tpu.dma_semaphore, #tpu.memory_space<semaphore_mem>>, %arg9: memref<!tpu.dma_semaphore, #tpu.memory_space<semaphore_mem>>) attributes {dimension_semantics = [#tpu.dimension_semantics<core_parallel>, #tpu.dimension_semantics<subcore_parallel>], iteration_bounds = array<i64: 2, 16>, scalar_prefetch = 0 : i64, scratch_operands = 5 : i64, tpu.core_type = #tpu.core_type<sc_vector_subcore>, window_params = [{transform_indices = #map}, {transform_indices = #map1}, {transform_indices = #map}]} {
    %mul3A = arith.constant 2 : i32
    %mul3A_0 = arith.muli %arg1, %mul3A : i32
    %add3A = arith.addi %mul3A_0, %arg0 : i32
    %mul3A_1 = arith.constant 6400 : i32
    %mul3A_2 = arith.muli %add3A, %mul3A_1 : i32
    "tpu.region"() ({
      %run_scoped3A = tpu.sem_alloc : memref<!tpu.dma_semaphore, #tpu.memory_space<semaphore_mem>>
      %dma_start3A_32 = tpu.memref_slice %arg3[%mul3A_2] : memref<204800xi32, #tpu.memory_space<hbm>> -> memref<6400xi32, #tpu.memory_space<hbm>>
      %dma_start3A_33 = tpu.memref_slice %arg3[%mul3A_2] : memref<204800xi32, #tpu.memory_space<hbm>> -> memref<6400xi32, #tpu.memory_space<hbm>>
      tpu.enqueue_dma source(%dma_start3A_33 : memref<6400xi32, #tpu.memory_space<hbm>>) target(%arg5 : memref<6400xi32, #tpu.memory_space<vmem>>) target_semaphore(%run_scoped3A : memref<!tpu.dma_semaphore, #tpu.memory_space<semaphore_mem>>)
      %dma_wait3A_34 = tpu.memref_slice %arg3[%mul3A_2] : memref<204800xi32, #tpu.memory_space<hbm>> -> memref<6400xi32, #tpu.memory_space<hbm>>
      %dma_wait3A_35 = tpu.memref_slice %arg3[%mul3A_2] : memref<204800xi32, #tpu.memory_space<hbm>> -> memref<6400xi32, #tpu.memory_space<hbm>>
      tpu.wait_dma2 semaphore(%run_scoped3A : memref<!tpu.dma_semaphore, #tpu.memory_space<semaphore_mem>>) src(%dma_wait3A_35 : memref<6400xi32, #tpu.memory_space<hbm>>) dst(%arg5 : memref<6400xi32, #tpu.memory_space<vmem>>)
      tpu.yield
    }) : () -> ()
    %dma_start3A = arith.constant 0 : i32
    %dma_start3A_3 = tpu.memref_slice %arg5[%dma_start3A] : memref<6400xi32, #tpu.memory_space<vmem>> -> memref<128xi32, #tpu.memory_space<vmem>>
    %dma_start3A_4 = arith.constant 0 : i32
    %dma_start3A_5 = arith.constant 0 : i32
    %dma_start3A_6 = tpu.memref_slice %arg2[%dma_start3A_4, %dma_start3A_5] : memref<500000x128xf32, #tpu.memory_space<hbm>> -> memref<500000x128xf32, #tpu.memory_space<hbm>>
    tpu.enqueue_indirect_dma source(%dma_start3A_6 : memref<500000x128xf32, #tpu.memory_space<hbm>>) target(%arg6 : memref<128x128xf32, #tpu.memory_space<vmem>>) offsets(%dma_start3A_3 : memref<128xi32, #tpu.memory_space<vmem>>) semaphore(%arg8 : memref<!tpu.dma_semaphore, #tpu.memory_space<semaphore_mem>>)
    %dma_start3A_7 = arith.constant 128 : i32
    %dma_start3A_8 = tpu.memref_slice %arg5[%dma_start3A_7] : memref<6400xi32, #tpu.memory_space<vmem>> -> memref<128xi32, #tpu.memory_space<vmem>>
    %dma_start3A_9 = arith.constant 0 : i32
    %dma_start3A_10 = arith.constant 0 : i32
    %dma_start3A_11 = tpu.memref_slice %arg2[%dma_start3A_9, %dma_start3A_10] : memref<500000x128xf32, #tpu.memory_space<hbm>> -> memref<500000x128xf32, #tpu.memory_space<hbm>>
    tpu.enqueue_indirect_dma source(%dma_start3A_11 : memref<500000x128xf32, #tpu.memory_space<hbm>>) target(%arg7 : memref<128x128xf32, #tpu.memory_space<vmem>>) offsets(%dma_start3A_8 : memref<128xi32, #tpu.memory_space<vmem>>) semaphore(%arg9 : memref<!tpu.dma_semaphore, #tpu.memory_space<semaphore_mem>>)
    %scan3A = arith.constant 0 : i32
    %scan3A_12 = arith.constant 0 : i32
    %scan3A_13 = arith.constant 24 : i32
    %scan3A_14 = arith.addi %scan3A_12, %scan3A_13 : i32
    %scan3A_15 = arith.constant 1 : i32
    scf.for %scan3A_32 = %scan3A_12 to %scan3A_14 step %scan3A_15  : i32 {
      %mul3A_33 = arith.constant 2 : i32
      %mul3A_34 = arith.muli %mul3A_33, %scan3A_32 : i32
      %dma_wait3A_35 = arith.constant 0 : i32
      %dma_wait3A_36 = arith.constant 0 : i32
      %dma_wait3A_37 = tpu.memref_slice %arg2[%dma_wait3A_35, %dma_wait3A_36] : memref<500000x128xf32, #tpu.memory_space<hbm>> -> memref<128x128xf32, #tpu.memory_space<hbm>>
      %dma_wait3A_38 = arith.constant 0 : i32
      %dma_wait3A_39 = arith.constant 0 : i32
      %dma_wait3A_40 = tpu.memref_slice %arg2[%dma_wait3A_38, %dma_wait3A_39] : memref<500000x128xf32, #tpu.memory_space<hbm>> -> memref<128x128xf32, #tpu.memory_space<hbm>>
      tpu.wait_dma2 semaphore(%arg8 : memref<!tpu.dma_semaphore, #tpu.memory_space<semaphore_mem>>) src(%dma_wait3A_40 : memref<128x128xf32, #tpu.memory_space<hbm>>) dst(%arg6 : memref<128x128xf32, #tpu.memory_space<vmem>>)
      %mul3A_41 = arith.constant 128 : i32
      %mul3A_42 = arith.muli %mul3A_34, %mul3A_41 : i32
      %add3A_43 = arith.addi %mul3A_2, %mul3A_42 : i32
      "tpu.region"() ({
        %run_scoped3A = tpu.sem_alloc : memref<!tpu.dma_semaphore, #tpu.memory_space<semaphore_mem>>
        %dma_start3A_71 = arith.constant 0 : i32
        %dma_start3A_72 = tpu.memref_slice %arg4[%add3A_43, %dma_start3A_71] : memref<204800x128xf32, #tpu.memory_space<hbm>> -> memref<128x128xf32, #tpu.memory_space<hbm>>
        %dma_start3A_73 = arith.constant 0 : i32
        %dma_start3A_74 = tpu.memref_slice %arg4[%add3A_43, %dma_start3A_73] : memref<204800x128xf32, #tpu.memory_space<hbm>> -> memref<128x128xf32, #tpu.memory_space<hbm>>
        tpu.enqueue_dma source(%arg6 : memref<128x128xf32, #tpu.memory_space<vmem>>) target(%dma_start3A_74 : memref<128x128xf32, #tpu.memory_space<hbm>>) target_semaphore(%run_scoped3A : memref<!tpu.dma_semaphore, #tpu.memory_space<semaphore_mem>>)
        %dma_wait3A_75 = arith.constant 0 : i32
        %dma_wait3A_76 = tpu.memref_slice %arg4[%add3A_43, %dma_wait3A_75] : memref<204800x128xf32, #tpu.memory_space<hbm>> -> memref<128x128xf32, #tpu.memory_space<hbm>>
        %dma_wait3A_77 = arith.constant 0 : i32
        %dma_wait3A_78 = tpu.memref_slice %arg4[%add3A_43, %dma_wait3A_77] : memref<204800x128xf32, #tpu.memory_space<hbm>> -> memref<128x128xf32, #tpu.memory_space<hbm>>
        tpu.wait_dma2 semaphore(%run_scoped3A : memref<!tpu.dma_semaphore, #tpu.memory_space<semaphore_mem>>) src(%arg6 : memref<128x128xf32, #tpu.memory_space<vmem>>) dst(%dma_wait3A_78 : memref<128x128xf32, #tpu.memory_space<hbm>>)
        tpu.yield
      }) : () -> ()
      %add3A_44 = arith.constant 2 : i32
      %add3A_45 = arith.addi %mul3A_34, %add3A_44 : i32
      %mul3A_46 = arith.constant 128 : i32
      %mul3A_47 = arith.muli %add3A_45, %mul3A_46 : i32
      %dma_start3A_48 = tpu.memref_slice %arg5[%mul3A_47] : memref<6400xi32, #tpu.memory_space<vmem>> -> memref<128xi32, #tpu.memory_space<vmem>>
      %dma_start3A_49 = arith.constant 0 : i32
      %dma_start3A_50 = arith.constant 0 : i32
      %dma_start3A_51 = tpu.memref_slice %arg2[%dma_start3A_49, %dma_start3A_50] : memref<500000x128xf32, #tpu.memory_space<hbm>> -> memref<500000x128xf32, #tpu.memory_space<hbm>>
      tpu.enqueue_indirect_dma source(%dma_start3A_51 : memref<500000x128xf32, #tpu.memory_space<hbm>>) target(%arg6 : memref<128x128xf32, #tpu.memory_space<vmem>>) offsets(%dma_start3A_48 : memref<128xi32, #tpu.memory_space<vmem>>) semaphore(%arg8 : memref<!tpu.dma_semaphore, #tpu.memory_space<semaphore_mem>>)
      %dma_wait3A_52 = arith.constant 0 : i32
      %dma_wait3A_53 = arith.constant 0 : i32
      %dma_wait3A_54 = tpu.memref_slice %arg2[%dma_wait3A_52, %dma_wait3A_53] : memref<500000x128xf32, #tpu.memory_space<hbm>> -> memref<128x128xf32, #tpu.memory_space<hbm>>
      %dma_wait3A_55 = arith.constant 0 : i32
      %dma_wait3A_56 = arith.constant 0 : i32
      %dma_wait3A_57 = tpu.memref_slice %arg2[%dma_wait3A_55, %dma_wait3A_56] : memref<500000x128xf32, #tpu.memory_space<hbm>> -> memref<128x128xf32, #tpu.memory_space<hbm>>
      tpu.wait_dma2 semaphore(%arg9 : memref<!tpu.dma_semaphore, #tpu.memory_space<semaphore_mem>>) src(%dma_wait3A_57 : memref<128x128xf32, #tpu.memory_space<hbm>>) dst(%arg7 : memref<128x128xf32, #tpu.memory_space<vmem>>)
      %add3A_58 = arith.constant 1 : i32
      %add3A_59 = arith.addi %mul3A_34, %add3A_58 : i32
      %mul3A_60 = arith.constant 128 : i32
      %mul3A_61 = arith.muli %add3A_59, %mul3A_60 : i32
      %add3A_62 = arith.addi %mul3A_2, %mul3A_61 : i32
      "tpu.region"() ({
        %run_scoped3A = tpu.sem_alloc : memref<!tpu.dma_semaphore, #tpu.memory_space<semaphore_mem>>
        %dma_start3A_71 = arith.constant 0 : i32
        %dma_start3A_72 = tpu.memref_slice %arg4[%add3A_62, %dma_start3A_71] : memref<204800x128xf32, #tpu.memory_space<hbm>> -> memref<128x128xf32, #tpu.memory_space<hbm>>
        %dma_start3A_73 = arith.constant 0 : i32
        %dma_start3A_74 = tpu.memref_slice %arg4[%add3A_62, %dma_start3A_73] : memref<204800x128xf32, #tpu.memory_space<hbm>> -> memref<128x128xf32, #tpu.memory_space<hbm>>
        tpu.enqueue_dma source(%arg7 : memref<128x128xf32, #tpu.memory_space<vmem>>) target(%dma_start3A_74 : memref<128x128xf32, #tpu.memory_space<hbm>>) target_semaphore(%run_scoped3A : memref<!tpu.dma_semaphore, #tpu.memory_space<semaphore_mem>>)
        %dma_wait3A_75 = arith.constant 0 : i32
        %dma_wait3A_76 = tpu.memref_slice %arg4[%add3A_62, %dma_wait3A_75] : memref<204800x128xf32, #tpu.memory_space<hbm>> -> memref<128x128xf32, #tpu.memory_space<hbm>>
        %dma_wait3A_77 = arith.constant 0 : i32
        %dma_wait3A_78 = tpu.memref_slice %arg4[%add3A_62, %dma_wait3A_77] : memref<204800x128xf32, #tpu.memory_space<hbm>> -> memref<128x128xf32, #tpu.memory_space<hbm>>
        tpu.wait_dma2 semaphore(%run_scoped3A : memref<!tpu.dma_semaphore, #tpu.memory_space<semaphore_mem>>) src(%arg7 : memref<128x128xf32, #tpu.memory_space<vmem>>) dst(%dma_wait3A_78 : memref<128x128xf32, #tpu.memory_space<hbm>>)
        tpu.yield
      }) : () -> ()
      %add3A_63 = arith.constant 3 : i32
      %add3A_64 = arith.addi %mul3A_34, %add3A_63 : i32
      %mul3A_65 = arith.constant 128 : i32
      %mul3A_66 = arith.muli %add3A_64, %mul3A_65 : i32
      %dma_start3A_67 = tpu.memref_slice %arg5[%mul3A_66] : memref<6400xi32, #tpu.memory_space<vmem>> -> memref<128xi32, #tpu.memory_space<vmem>>
      %dma_start3A_68 = arith.constant 0 : i32
      %dma_start3A_69 = arith.constant 0 : i32
      %dma_start3A_70 = tpu.memref_slice %arg2[%dma_start3A_68, %dma_start3A_69] : memref<500000x128xf32, #tpu.memory_space<hbm>> -> memref<500000x128xf32, #tpu.memory_space<hbm>>
      tpu.enqueue_indirect_dma source(%dma_start3A_70 : memref<500000x128xf32, #tpu.memory_space<hbm>>) target(%arg7 : memref<128x128xf32, #tpu.memory_space<vmem>>) offsets(%dma_start3A_67 : memref<128xi32, #tpu.memory_space<vmem>>) semaphore(%arg9 : memref<!tpu.dma_semaphore, #tpu.memory_space<semaphore_mem>>)
    }
    %scan3A_16 = arith.constant 24 : i32
    %dma_wait3A = arith.constant 0 : i32
    %dma_wait3A_17 = arith.constant 0 : i32
    %dma_wait3A_18 = tpu.memref_slice %arg2[%dma_wait3A, %dma_wait3A_17] : memref<500000x128xf32, #tpu.memory_space<hbm>> -> memref<128x128xf32, #tpu.memory_space<hbm>>
    %dma_wait3A_19 = arith.constant 0 : i32
    %dma_wait3A_20 = arith.constant 0 : i32
    %dma_wait3A_21 = tpu.memref_slice %arg2[%dma_wait3A_19, %dma_wait3A_20] : memref<500000x128xf32, #tpu.memory_space<hbm>> -> memref<128x128xf32, #tpu.memory_space<hbm>>
    tpu.wait_dma2 semaphore(%arg8 : memref<!tpu.dma_semaphore, #tpu.memory_space<semaphore_mem>>) src(%dma_wait3A_21 : memref<128x128xf32, #tpu.memory_space<hbm>>) dst(%arg6 : memref<128x128xf32, #tpu.memory_space<vmem>>)
    %add3A_22 = arith.constant 6144 : i32
    %add3A_23 = arith.addi %mul3A_2, %add3A_22 : i32
    "tpu.region"() ({
      %run_scoped3A = tpu.sem_alloc : memref<!tpu.dma_semaphore, #tpu.memory_space<semaphore_mem>>
      %dma_start3A_32 = arith.constant 0 : i32
      %dma_start3A_33 = tpu.memref_slice %arg4[%add3A_23, %dma_start3A_32] : memref<204800x128xf32, #tpu.memory_space<hbm>> -> memref<128x128xf32, #tpu.memory_space<hbm>>
      %dma_start3A_34 = arith.constant 0 : i32
      %dma_start3A_35 = tpu.memref_slice %arg4[%add3A_23, %dma_start3A_34] : memref<204800x128xf32, #tpu.memory_space<hbm>> -> memref<128x128xf32, #tpu.memory_space<hbm>>
      tpu.enqueue_dma source(%arg6 : memref<128x128xf32, #tpu.memory_space<vmem>>) target(%dma_start3A_35 : memref<128x128xf32, #tpu.memory_space<hbm>>) target_semaphore(%run_scoped3A : memref<!tpu.dma_semaphore, #tpu.memory_space<semaphore_mem>>)
      %dma_wait3A_36 = arith.constant 0 : i32
      %dma_wait3A_37 = tpu.memref_slice %arg4[%add3A_23, %dma_wait3A_36] : memref<204800x128xf32, #tpu.memory_space<hbm>> -> memref<128x128xf32, #tpu.memory_space<hbm>>
      %dma_wait3A_38 = arith.constant 0 : i32
      %dma_wait3A_39 = tpu.memref_slice %arg4[%add3A_23, %dma_wait3A_38] : memref<204800x128xf32, #tpu.memory_space<hbm>> -> memref<128x128xf32, #tpu.memory_space<hbm>>
      tpu.wait_dma2 semaphore(%run_scoped3A : memref<!tpu.dma_semaphore, #tpu.memory_space<semaphore_mem>>) src(%arg6 : memref<128x128xf32, #tpu.memory_space<vmem>>) dst(%dma_wait3A_39 : memref<128x128xf32, #tpu.memory_space<hbm>>)
      tpu.yield
    }) : () -> ()
    %dma_wait3A_24 = arith.constant 0 : i32
    %dma_wait3A_25 = arith.constant 0 : i32
    %dma_wait3A_26 = tpu.memref_slice %arg2[%dma_wait3A_24, %dma_wait3A_25] : memref<500000x128xf32, #tpu.memory_space<hbm>> -> memref<128x128xf32, #tpu.memory_space<hbm>>
    %dma_wait3A_27 = arith.constant 0 : i32
    %dma_wait3A_28 = arith.constant 0 : i32
    %dma_wait3A_29 = tpu.memref_slice %arg2[%dma_wait3A_27, %dma_wait3A_28] : memref<500000x128xf32, #tpu.memory_space<hbm>> -> memref<128x128xf32, #tpu.memory_space<hbm>>
    tpu.wait_dma2 semaphore(%arg9 : memref<!tpu.dma_semaphore, #tpu.memory_space<semaphore_mem>>) src(%dma_wait3A_29 : memref<128x128xf32, #tpu.memory_space<hbm>>) dst(%arg7 : memref<128x128xf32, #tpu.memory_space<vmem>>)
    %add3A_30 = arith.constant 6272 : i32
    %add3A_31 = arith.addi %mul3A_2, %add3A_30 : i32
    "tpu.region"() ({
      %run_scoped3A = tpu.sem_alloc : memref<!tpu.dma_semaphore, #tpu.memory_space<semaphore_mem>>
      %dma_start3A_32 = arith.constant 0 : i32
      %dma_start3A_33 = tpu.memref_slice %arg4[%add3A_31, %dma_start3A_32] : memref<204800x128xf32, #tpu.memory_space<hbm>> -> memref<128x128xf32, #tpu.memory_space<hbm>>
      %dma_start3A_34 = arith.constant 0 : i32
      %dma_start3A_35 = tpu.memref_slice %arg4[%add3A_31, %dma_start3A_34] : memref<204800x128xf32, #tpu.memory_space<hbm>> -> memref<128x128xf32, #tpu.memory_space<hbm>>
      tpu.enqueue_dma source(%arg7 : memref<128x128xf32, #tpu.memory_space<vmem>>) target(%dma_start3A_35 : memref<128x128xf32, #tpu.memory_space<hbm>>) target_semaphore(%run_scoped3A : memref<!tpu.dma_semaphore, #tpu.memory_space<semaphore_mem>>)
      %dma_wait3A_36 = arith.constant 0 : i32
      %dma_wait3A_37 = tpu.memref_slice %arg4[%add3A_31, %dma_wait3A_36] : memref<204800x128xf32, #tpu.memory_space<hbm>> -> memref<128x128xf32, #tpu.memory_space<hbm>>
      %dma_wait3A_38 = arith.constant 0 : i32
      %dma_wait3A_39 = tpu.memref_slice %arg4[%add3A_31, %dma_wait3A_38] : memref<204800x128xf32, #tpu.memory_space<hbm>> -> memref<128x128xf32, #tpu.memory_space<hbm>>
      tpu.wait_dma2 semaphore(%run_scoped3A : memref<!tpu.dma_semaphore, #tpu.memory_space<semaphore_mem>>) src(%arg7 : memref<128x128xf32, #tpu.memory_space<vmem>>) dst(%dma_wait3A_39 : memref<128x128xf32, #tpu.memory_space<hbm>>)
      tpu.yield
    }) : () -> ()
    return
  }
}

</mosaic_0001>

<sc_bundles>
// kernel: _sc_gather.3.cloned.1.call-start
scs
__scs_entry_jumppad:
0x0: {  	(pc) =	sbr.rel $0x88, $3  }
0x1: {  	(tag) =	ssettag $0x0;
	lr =	simm.s32 $0x1  }
0x2: {  	[smem:$0x3F9F] =	sst lr;
	_ =	strace $0xD0000000  }
0x3: {  	_ = 	snop  }
0x4: {  	_ = 	snop  }
0x5: {  	_ = 	snop  }
0x6: {  	_ = 	snop  }
0x7: {  	_ = 	snop  }
__scs_overlays_trampoline_lowered:
0x8: {  	[smem:$0x3FAE] =	sst s0  }
0x9: {  	[smem:$0x3FAF] =	sst s1  }
0xa: {  	[smem:$0x3FB0] =	sst s2  }
0xb: {  	[smem:$0x3FB1] =	sst s3  }
0xc: {  	[smem:$0x3FB2] =	sst s4  }
0xd: {  	[smem:$0x3FB3] =	sst s5  }
0xe: {  	[smem:$0x3FB4] =	sst s6  }
0xf: {  	[smem:$0x3FB5] =	sst s7  }
0x10: {  	[smem:$0x3FB6] =	sst s8  }
0x11: {  	[smem:$0x3FB7] =	sst s9;
	s0 =	simm.s32 @!p0 $0x0  }
0x12: {  	s1 =	sld [smem:$0x3F9D];
	s0 =	simm.s32 @p0 $0x1  }
0x13: {  	[smem:$0x3FB8] =	sst s0;
	s0 =	simm.s32 @!p1 $0x0  }
0x14: {  	s2 =	sld [smem:$0x3F9C];
	s0 =	simm.s32 @p1 $0x1  }
0x15: {  	[smem:$0x3FB9] =	sst s0;
	s0 =	simm.s32 @!p2 $0x0  }
0x16: {  	s3 =	sld [smem:$0x3FDB];
	s0 =	simm.s32 @p2 $0x1  }
0x17: {  	s4 =	simm.s32 $0x1BF5;
	[smem:$0x3FBB] =	sst s0  }
0x18: {  	s0 =	sld [smem:$0x3F9E];
	_ =	swait.ge [sflag:s4], $0x0  }
0x19: {  	s7 =	sld [smem:$0x3F9F]  }
0x1a: {  	s8 =	sadd.s32 $0xFFFFE003, lr  }
0x1b: {  	s9 =	sadd.s32 $0xFFFFFEF7, lr;
	s5 =	simm.s32 $0xFFFFFFFF;
	p2 =	slt.u32 s8, $0xFFFFF086  }
0x1c: {  	p1 =	slt.u32 s9, $0xF7A;
	s5 =	simm.s32 @!p2 $0x0  }
0x1d: {  	s5 =	simm.s32 @p1 $0x1;
	p0 =	seq.s32 s7, s2  }
0x1e: {  	s7 =	smul.u32 @!p0 $0xF7A, s2;
	p2 =	seq.s32 @!p0 s5, $0x0  }
0x1f: {  	s9 =	smul.u32 $0xF7A, s1;
	s8 =	simm.s32 @!p0 $0x1BF5;
	p2 =	por !p2, p0  }
0x20: {  	[sflag:s8] =	ssyncset.s32 @!p0 $0xFFFFF086;
	s6 =	sadd.s32 @!p0 s3, s7;
	s7 =	simm.s32 @!p0 $0x108  }
0x21: {  	s3 =	sadd.s32 s3, s9;
	s6 =	sadd.s32 @!p0 $0x88, s6;
	s7 =	simm.s32 @p2 $0x1082  }
0x22: {  	[simem:s7], [sflag:s8] =	dma.local @!p0 [hbm:s6], $0xF7A  }
0x23: {  	s9 =	sor.u32 $0xD0000000, s2;
	s6 =	simm.s32 $0x108;
	_ =	swait.ge @!p0 [sflag:s8], $0x0  }
0x24: {  	s3 =	sadd.s32 $0x88, s3;
	s6 =	simm.s32 @!p1 $0x1082;
	[sflag:s4] =	ssyncset.s32 $0xFFFFF086  }
0x25: {  	[simem:s6], [sflag:s4] =	dma.local [hbm:s3], $0xF7A  }
0x26: {  	[smem:$0x3F9F] =	sst s1;
	(tag) =	ssettag s2;
	_ =	strace s9  }
0x27: {  	s1 =	sld [smem:$0x3FAF]  }
0x28: {  	s2 =	sld [smem:$0x3FB0]  }
0x29: {  	s4 =	sld [smem:$0x3FB2]  }
0x2a: {  	p0 =	seq.s32 s5, $0x0;
	s5 =	sld [smem:$0x3FB3]  }
0x2b: {  	s6 =	sld [smem:$0x3FB4]  }
0x2c: {  	s7 =	sld [smem:$0x3FB5]  }
0x2d: {  	s3 =	simm.s32 $0x108;
	s8 =	sld [smem:$0x3FB6]  }
0x2e: {  	s3 =	simm.s32 @!p0 $0x1082;
	s9 =	sld [smem:$0x3FB7]  }
0x2f: {  	lr =	sadd.s32 s0, s3;
	s0 =	sld [smem:$0x3FAE]  }
0x30: {  	s3 =	sld [smem:$0x3FB1]  }
0x31: {  	[smem:$0x3FBA] =	sst s10  }
0x32: {  	s10 =	sld [smem:$0x3FB8];
	_ =	sdelay $0x3  }
0x33: {  	p0 =	seq.s32 s10, $0x1;
	s10 =	sld [smem:$0x3FBA];
	_ =	sdelay $0x3  }
0x34: {  	[smem:$0x3FBA] =	sst s10  }
0x35: {  	s10 =	sld [smem:$0x3FB9];
	_ =	sdelay $0x3  }
0x36: {  	p1 =	seq.s32 s10, $0x1;
	s10 =	sld [smem:$0x3FBA];
	_ =	sdelay $0x3  }
0x37: {  	[smem:$0x3FBA] =	sst s10  }
0x38: {  	s10 =	sld [smem:$0x3FBB]  }
0x39: {  	_ = 	snop;
	(pc) =	sbr.ind lr, $3  }
0x3a: {  	_ = 	snop  }
0x3b: {  	_ = 	snop  }
0x3c: {  	p2 =	seq.s32 s10, $0x1;
	s10 =	sld [smem:$0x3FBA]  }
0x3d: {  	_ =	shalt  }
0x3e: {  	_ =	shalt  }
0x3f: {  	_ =	shalt  }
0x40: {  	_ =	shalt  }
0x41: {  	_ =	shalt  }
0x42: {  	_ =	shalt  }
0x43: {  	_ =	shalt  }
0x44: {  	_ =	shalt  }
0x45: {  	_ =	shalt  }
0x46: {  	_ =	shalt  }
0x47: {  	_ =	shalt  }
0x48: {  	_ =	shalt  }
0x49: {  	_ =	shalt  }
0x4a: {  	_ =	shalt  }
0x4b: {  	_ =	shalt  }
0x4c: {  	_ =	shalt  }
0x4d: {  	_ =	shalt  }
0x4e: {  	_ =	shalt  }
0x4f: {  	_ =	shalt  }
0x50: {  	_ =	shalt  }
0x51: {  	_ =	shalt  }
0x52: {  	_ =	shalt  }
0x53: {  	_ =	shalt  }
0x54: {  	_ =	shalt  }
0x55: {  	_ =	shalt  }
0x56: {  	_ =	shalt  }
0x57: {  	_ =	shalt  }
0x58: {  	_ =	shalt  }
0x59: {  	_ =	shalt  }
0x5a: {  	_ =	shalt  }
0x5b: {  	_ =	shalt  }
0x5c: {  	_ =	shalt  }
0x5d: {  	_ =	shalt  }
0x5e: {  	_ =	shalt  }
0x5f: {  	_ =	shalt  }
0x60: {  	_ =	shalt  }
0x61: {  	_ =	shalt  }
0x62: {  	_ =	shalt  }
0x63: {  	_ =	shalt  }
0x64: {  	_ =	shalt  }
0x65: {  	_ =	shalt  }
0x66: {  	_ =	shalt  }
0x67: {  	_ =	shalt  }
0x68: {  	_ =	shalt  }
0x69: {  	_ =	shalt  }
0x6a: {  	_ =	shalt  }
0x6b: {  	_ =	shalt  }
0x6c: {  	_ =	shalt  }
0x6d: {  	_ =	shalt  }
0x6e: {  	_ =	shalt  }
0x6f: {  	_ =	shalt  }
0x70: {  	_ =	shalt  }
0x71: {  	_ =	shalt  }
0x72: {  	_ =	shalt  }
0x73: {  	_ =	shalt  }
0x74: {  	_ =	shalt  }
0x75: {  	_ =	shalt  }
0x76: {  	_ =	shalt  }
0x77: {  	_ =	shalt  }
0x78: {  	_ =	shalt  }
0x79: {  	_ =	shalt  }
0x7a: {  	_ =	shalt  }
0x7b: {  	_ =	shalt  }
0x7c: {  	_ =	shalt  }
0x7d: {  	_ =	shalt  }
0x7e: {  	_ =	shalt  }
0x7f: {  	_ =	shalt  }
0x80: {  	_ =	shalt  }
0x81: {  	_ =	shalt  }
0x82: {  	_ =	shalt  }
0x83: {  	_ =	shalt  }
0x84: {  	_ =	shalt  }
0x85: {  	_ =	shalt  }
0x86: {  	_ =	shalt  }
0x87: {  	_ =	shalt  }
.Lfunc_end0:
.L_simem_size_0:
called_computation_lowered:
.L_overlay_start_0:
0x88: {  	s2 =	sld [smem:$0x3FD9]  }
0x89: {  	s3 =	sld [smem:$0x3FFE];
	_ =	sdelay $0x1  }
0x8a: {  	s1 =	srdreg.scid  }
0x8b: {  	s0 =	sand.u32 $0x1, s1  }
0x8c: {  	s18 =	sshll.u32 s0, $0xA;
	s2 =	sadd.s32 s3, s2  }
0x8d: {  	s2 =	sadd.s32 s2, s18  }
0x8e: {  	[smem:$0x3FC6] =	sst s2  }
0x8f: {  	_ = 	snop  }
0x90: {  	s2 =	sld [smem:$0x3FC9]  }
0x91: {  	s19 =	sld [smem:$0x3FC8]  }
0x92: {  	s4 =	sld [smem:$0x3FD0];
	(tm) =	ssettm $0x1  }
0x93: {  	s5 =	sld [smem:$0x3FFB];
	_ =	sdelay $0x3  }
0x94: {  	_ =	strace s5  }
0x95: {  	s5 =	sld [smem:$0x3FFC];
	_ =	sdelay $0x3  }
0x96: {  	_ =	strace s5  }
0x97: {  	s5 =	sld [smem:$0x3FFD];
	_ =	sdelay $0x3  }
0x98: {  	_ =	strace s5  }
0x99: {  	_ =	strace $0x8FFFFFFF  }
0x9a: {  	s20 =	sld [smem:$0x3FDB];
	_ =	sdelay $0x1  }
0x9b: {  	s6 =	simm.s32 $_scs_section_size  }
0x9c: {  	s7 =	simm.s32 $_size__tile_overlayer_lowered;
	s8 =	simm.s32 $_tile_overlayer_lowered  }
0x9d: {  	s23 =	simm.s32 $0x1BFF;
	s22 =	sshll.u32 s8, $0x1;
	s5 =	sadd.s32 s6, s20  }
0x9e: {  	s9 =	simm.s32 $0x0;
	s21 =	sshll.u32 s7, $0x1;
	s7 =	sadd.s32 s22, s5  }
0x9f: {  	[timem:s9], [sflag:s23] =	dma.local [hbm:s7], s21  }
0xa0: {  	_ =	swait.ge [sflag:s23], s21  }
0xa1: {  	s6 =	ssub.s32 $0x0, s21;
	[sflag:s23] =	ssyncset.done $0x0  }
0xa2: {  	[sflag:s23] =	ssyncadd.s32 s6;
	_ =	sdelay $0x1  }
0xa3: {  	s24 =	simm.s32 $0x1B8B  }
0xa4: {  	_ =	swait.ge [sflag:s24], $0x1  }
0xa5: {  	[sflag:s24] =	ssyncset.done $0x0  }
0xa6: {  	s25 =	simm.s32 $0x1B8E;
	[sflag:s24] =	ssyncadd.s32 $0xFFFFFFFF  }
0xa7: {  	s26 =	simm.s32 $execute0_lowered;
	[smem:$0x3FD2] =	sst s25  }
0xa8: {  	s6 =	sshll.u32 s26, $0x1;
	_ =	strace $0x80000046;
	[dreg:$0x1] =	wrdreg $0xFFFFFFFF  }
0xa9: {  	s28 =	simm.s32 $_size_execute0_lowered;
	s5 =	sadd.s32 s5, s6;
	[dreg:$0x0] =	wrdreg $0x0  }
0xaa: {  	s6 =	sshll.u32 s28, $0x1;
	[dreg:$0x2] =	wrdreg s5  }
0xab: {  	[dreg:$0x3] =	wrdreg s6  }
0xac: {  	[dreg:$0x4] =	wrdreg $0xC0  }
0xad: {  	_ =	task [dreg:s9], $0x5FFFF  }
0xae: {  	[dreg:$0x1] =	wrdreg $0xFFFFFFFF  }
0xaf: {  	[dreg:$0x0] =	wrdreg $0x60  }
0xb0: {  	[dreg:$0x2] =	wrdreg s2  }
0xb1: {  	[dreg:$0x3] =	wrdreg s19  }
0xb2: {  	[dreg:$0x4] =	wrdreg s4  }
0xb3: {  	[dreg:$0x5] =	wrdreg $0x9  }
0xb4: {  	_ =	task.clear_ibuf [dreg:s9], $0x6FFFF;
	_ =	strace $0x90000046  }
0xb5: {  	s29 =	simm.s32 $0x9;
	_ =	strace $0x80000048  }
0xb6: {  	_ =	swait.ge [sflag:s29], $0x1  }
0xb7: {  	[sflag:s29] =	ssyncadd.s32 $0xFFFFFFFF  }
0xb8: {  	_ =	strace $0x90000048  }
0xb9: {  	_ =	sfence  }
0xba: {  	s30 =	sld [smem:$0x0];
	_ =	sdelay $0x2  }
0xbb: {  	s31 =	sshll.u32 s1, $0xD;
	s1 =	sshrl.u32 s1, $0x2  }
0xbc: {  	s3 =	sand.u32 $0x4000, s31;
	s1 =	sadd.s32 s1, s30  }
0xbd: {  	s0 =	sor.u32 s3, s0;
	s1 =	sshll.u32 s1, $0x11  }
0xbe: {  	s0 =	sor.u32 s1, s0  }
0xbf: {  	s0 =	sadd.s32 $0x8F2B, s0  }
0xc0: {  	[sflag:s0] =	ssyncadd.remote.s32 $0x1  }
0xc1: {  	_ =	sfence.sel $0xFFFF  }
0xc2: {  	[dreg:$0x0] =	wrdreg $0xFFFFFFFF;
	(pc) =	sbr.abs _section_cstart, $3  }
0xc3: {  	[dreg:$0x1] =	wrdreg $0xFFFFFFFF  }
0xc4: {  	_ =	task.clear_ibuf [dreg:s9], $0x2FFFF;
	_ =	strace $0x9FFFFFFF  }
0xc5: {  	(tm) =	ssettm $0x7FFFFFFF  }
tec
execute0_lowered:
.L_overlay_start_1:
0x0: {  	(tag) =	ssettag $0x1  }
0x1: {  	s1 =	rddreg [dreg:$0x0];
	s2 =	srdreg.scid  }
0x2: {  	s0 =	stileid.u32;
	s4 =	rddreg [dreg:$0x1]  }
0x3: {  	s9 =	rddreg [dreg:$0x2];
	s3 =	simm.s32 $0x0;
	s10 =	smul.u32 $0x32000, s0  }
0x4: {  	s15 =	simm.s32 $0x2;
	s6 =	sand.u32 $0x1, s2;
	s12 =	smul.u32 $0x190000, s0  }
0x5: {  	s16 =	simm.s32 $0x0;
	s26 =	sshll.u32 s0, $0x1;
	s13 =	smul.u32 $0xC8000, s6  }
0x6: {  	s2 =	rddreg [dreg:$0x3];
	s5 =	sor.u32 s6, s26;
	s14 =	smul.u32 $0x19000, s6  }
0x7: {  	[smem:$0x7FF] =	sst s3;
	s8 =	ssub.s32 $0x2, s6;
	s7 =	smul.u32 $0x320, s5  }
0x8: {  	_ =	strace $0x80000047;
	s5 =	smul.u32 $0xC8000, s5;
	s11 =	sshrl.u32 s8, $0x1  }
0x9: {  	s10 =	sadd.s32 s10, s9;
	s8 =	ssub.s32 s8, s11;
	s29 =	sadd.s32 s13, s12  }
0xa: {  	s30 =	sadd.s32 s14, s10;
	s10 =	simm.s32 $0x3;
	s11 =	simm.s32 $0x80  }
0xb: {  	s12 =	simm.s32 $0x1900;
	s13 =	simm.s32 $0x5900;
	s14 =	simm.s32 $0x1  }
0xc: {  	s5 =	sshrl.u32 s5, $0x3;
	s4 =	sadd.s32 s4, s7;
	s7 =	smax.u32 s8, $0x1  }
0xd: {  	s31 =	sshrl.u32 s29, $0x3;
	s8 =	sadd.s32 $0x800, s30;
	s28 =	sadd.s32 s9, s5  }
0xe: {  	s9 =	sadd.s32 s31, s9;
	s5 =	sadd.s32 $0x18000, s28;
	s6 =	sadd.s32 $0x18800, s28  }
.LBB2_1:
0xf: {  	[tilespmem:s3], [sflag:$0x3] =	stream.linear.gather [hbm4b:s4+s3], $0x1900, $0x38;
	[tilespmem:$0x9900] =	vst v63  }
0x10: {  	_ =	swait.ge [sflag:s10], $0x1900  }
0x11: {  	[sflag:s10] =	ssyncset.done $0x0  }
0x12: {  	[sflag:s10] =	ssyncadd.s32 $0xFFFFE700  }
0x13: {  	[tilespmem:s12], [sflag:$0x1] =	stream.indirect.gather [hbm4b:s1+s11], $0x80, s3, s11, $0xb8;
	[tilespmem:$0x9900] =	vst v63  }
0x14: {  	_ = 	snop  }
0x15: {  	[tilespmem:s13], [sflag:$0x2] =	stream.indirect.gather [hbm4b:s1+s11], $0x80, s11, s11, $0xb8;
	[tilespmem:$0x9900] =	vst v63  }
0x16: {  	_ =	swait.ge [sflag:s14], $0x4000  }
0x17: {  	[sflag:s14] =	ssyncset.done $0x0  }
0x18: {  	s17 =	sadd.s32 $0x0, s9;
	[sflag:s14] =	ssyncadd.s32 $0xFFFFC000  }
0x19: {  	[hbm4b:s17+s3] =	stream.linear.scatter [tilespmem:s12], [sflag:$0x3], $0x4000, $0x38;
	[tilespmem:$0x9900] =	vst v63  }
0x1a: {  	_ =	swait.ge [sflag:s10], $0x4000  }
0x1b: {  	[sflag:s10] =	ssyncset.done $0x0  }
0x1c: {  	s30 =	simm.s32 $0x100;
	[sflag:s10] =	ssyncadd.s32 $0xFFFFC000  }
0x1d: {  	[tilespmem:s12], [sflag:$0x1] =	stream.indirect.gather [hbm4b:s1+s11], $0x80, s30, s11, $0xb8;
	[tilespmem:$0x9900] =	vst v63  }
0x1e: {  	_ =	swait.ge [sflag:s15], $0x4000  }
0x1f: {  	[sflag:s15] =	ssyncset.done $0x0  }
0x20: {  	s31 =	sadd.s32 $0x0, s8;
	[sflag:s15] =	ssyncadd.s32 $0xFFFFC000  }
0x21: {  	[hbm4b:s31+s3] =	stream.linear.scatter [tilespmem:s13], [sflag:$0x3], $0x4000, $0x38;
	[tilespmem:$0x9900] =	vst v63  }
0x22: {  	_ =	swait.ge [sflag:s10], $0x4000  }
0x23: {  	s18 =	simm.s32 $0x1000;
	[sflag:s10] =	ssyncset.done $0x0  }
0x24: {  	s19 =	simm.s32 $0x280;
	s17 =	simm.s32 $0x180;
	[sflag:s10] =	ssyncadd.s32 $0xFFFFC000  }
.LBB2_2:
0x25: {  	[tilespmem:s13], [sflag:$0x2] =	stream.indirect.gather [hbm4b:s1+s11], $0x80, s17, s11, $0xb8;
	[tilespmem:$0x9900] =	vst v63  }
0x26: {  	s20 =	smov.u32 s18;
	s17 =	smov.u32 s19  }
0x27: {  	p0 =	sne.s32 s18, $0x17000;
	s18 =	sadd.s32 $0x1000, s18;
	_ =	swait.ge [sflag:s14], $0x4000  }
0x28: {  	[sflag:s14] =	ssyncset.done $0x0  }
0x29: {  	s21 =	sadd.s32 s20, s9;
	[sflag:s14] =	ssyncadd.s32 $0xFFFFC000  }
0x2a: {  	[hbm4b:s21+s3] =	stream.linear.scatter [tilespmem:s12], [sflag:$0x3], $0x4000, $0x38;
	[tilespmem:$0x9900] =	vst v63  }
0x2b: {  	_ =	swait.ge [sflag:s10], $0x4000  }
0x2c: {  	[sflag:s10] =	ssyncset.done $0x0  }
0x2d: {  	s21 =	sadd.s32 $0xFFFFFF80, s19;
	[sflag:s10] =	ssyncadd.s32 $0xFFFFC000  }
0x2e: {  	[tilespmem:s12], [sflag:$0x1] =	stream.indirect.gather [hbm4b:s1+s11], $0x80, s21, s11, $0xb8;
	[tilespmem:$0x9900] =	vst v63  }
0x2f: {  	_ =	swait.ge [sflag:s15], $0x4000  }
0x30: {  	[sflag:s15] =	ssyncset.done $0x0  }
.Ltmp0:
0x31: {  	s20 =	sadd.s32 s20, s8;
	[sflag:s15] =	ssyncadd.s32 $0xFFFFC000;
	(pc) =	sbr.rel @p0 .LBB2_2-.Ltmp0, $4  }
0x32: {  	[hbm4b:s20+s3] =	stream.linear.scatter [tilespmem:s13], [sflag:$0x3], $0x4000, $0x38;
	[tilespmem:$0x9900] =	vst v63  }
0x33: {  	_ =	swait.ge [sflag:s10], $0x4000  }
0x34: {  	[sflag:s10] =	ssyncset.done $0x0  }
0x35: {  	s19 =	sadd.s32 $0x100, s19;
	[sflag:s10] =	ssyncadd.s32 $0xFFFFC000  }
0x36: {  	[tilespmem:s13], [sflag:$0x2] =	stream.indirect.gather [hbm4b:s1+s11], $0x80, s17, s11, $0xb8;
	[tilespmem:$0x9900] =	vst v63  }
0x37: {  	_ =	swait.ge [sflag:s14], $0x4000  }
0x38: {  	[sflag:s14] =	ssyncset.done $0x0  }
0x39: {  	[sflag:s14] =	ssyncadd.s32 $0xFFFFC000  }
0x3a: {  	[hbm4b:s5+s3] =	stream.linear.scatter [tilespmem:s12], [sflag:$0x3], $0x4000, $0x38;
	[tilespmem:$0x9900] =	vst v63  }
0x3b: {  	_ =	swait.ge [sflag:s10], $0x4000  }
0x3c: {  	[sflag:s10] =	ssyncset.done $0x0  }
0x3d: {  	[sflag:s10] =	ssyncadd.s32 $0xFFFFC000  }
0x3e: {  	s16 =	sadd.s32 $0x1, s16;
	_ =	swait.ge [sflag:s15], $0x4000  }
0x3f: {  	p0 =	sne.s32 s16, s7;
	[sflag:s15] =	ssyncset.done $0x0  }
.Ltmp1:
0x40: {  	[sflag:s15] =	ssyncadd.s32 $0xFFFFC000;
	(pc) =	sbr.rel @p0 .LBB2_1-.Ltmp1, $4  }
0x41: {  	[hbm4b:s6+s3] =	stream.linear.scatter [tilespmem:s13], [sflag:$0x3], $0x4000, $0x38;
	[tilespmem:$0x9900] =	vst v63  }
0x42: {  	_ =	swait.ge [sflag:s10], $0x4000  }
0x43: {  	[sflag:s10] =	ssyncset.done $0x0  }
0x44: {  	[sflag:s10] =	ssyncadd.s32 $0xFFFFC000  }
0x45: {  	_ =	sfence.sel $0x180000  }
0x46: {  	[bflag:$0x0] =	sbarrier.arrive $0xFFFF  }
0x47: {  	p0 =	sne.s32 s0, $0x0;
	_ =	strace $0x90000047  }
0x48: {  	s0 =	sadd.s32 @!p0 $0x100000, s2;
	[bflag:$0x2] =	sbarrier.arrive $0xFFFF  }
0x49: {  	[sflag:s0] =	ssyncadd.tile.s32 @!p0 $0x1;
	_ =	shalt  }
.Lfunc_end2:
_tile_overlayer_lowered:
.L_overlay_start_2:
0x4a: {  	(tag) =	ssettag $0x2  }
0x4b: {  	s0 =	rddreg [dreg:$0x0];
	s2 =	stileid.u32  }
0x4c: {  	s1 =	rddreg [dreg:$0x1];
	p0 =	sne.s32 s2, $0x0  }
0x4d: {  	s3 =	rddreg [dreg:$0x2];
	[bflag:$0x3] =	sbarrier.arrive $0xFFFF;
	s2 =	simm.s32 @!p0 $0x1C03  }
0x4e: {  	[timem:s3], [sflag:s2] =	dma.local @!p0 [hbm:s0], s1  }
0x4f: {  	s0 =	simm.s32 @!p0 $0x3  }
0x50: {  	_ =	swait.ge @!p0 [sflag:s0], s1  }
0x51: {  	s1 =	ssub.s32 @!p0 $0x0, s1;
	[sflag:s0] =	ssyncset.done @!p0 $0x0  }
0x52: {  	[sflag:s0] =	ssyncadd.s32 @!p0 s1  }
0x53: {  	[bflag:$0x3] =	sbarrier.arrive $0xFFFF  }
0x54: {  	_ =	shalt  }

</sc_bundles>
